<compile_context>
chip_gen: v7x
topology: tpu7x:2x2x1
jax: 0.10.2.dev20260603
libtpu: 0.0.44.dev20260713+nightly
codegen_flags: <defaults>
</compile_context>

<pallas_src>
import functools

import jax
import jax.numpy as jnp
from jax import lax
from jax.experimental import pallas as pl
from jax.experimental.pallas import tpu as pltpu
from jax.experimental.pallas import tpu_sc as plsc

_B, _N, _D = 4, 4096, 1024
_BN = _B * _N
_NC, _NS = 2, 16
_NW = _NC * _NS

_COPY_ROWS = 2048


def _copy_body(x_ref, o_ref):
    o_ref[...] = x_ref[...]


def _tc_copy(xf):
    return pl.pallas_call(
        _copy_body,
        grid=(_BN // _COPY_ROWS,),
        in_specs=[pl.BlockSpec((_COPY_ROWS, _D), lambda i: (i, 0))],
        out_specs=pl.BlockSpec((_COPY_ROWS, _D), lambda i: (i, 0)),
        out_shape=jax.ShapeDtypeStruct((_BN, _D), jnp.float32),
    )(xf)


def _pad_dup(v, total):
    n = v.shape[0]
    if n == total:
        return v
    return jnp.concatenate([v, jnp.broadcast_to(v[:1], (total - n,))])


_TG = 8


def _make_sc_scatter(cm, cr):
    mesh = plsc.VectorSubcoreMesh(core_axis_name="c", subcore_axis_name="s")
    ng = cm // _TG

    @functools.partial(
        pl.kernel,
        out_type=(),
        mesh=mesh,
        scratch_types=[
            pltpu.VMEM((ng, _TG), jnp.int32),
            pltpu.VMEM((cr,), jnp.int32),
            pltpu.VMEM((cr,), jnp.int32),
            pltpu.VMEM((_TG, _D), jnp.float32),
            pltpu.VMEM((cr, _D), jnp.float32),
            pltpu.SemaphoreType.DMA,
            pltpu.SemaphoreType.DMA,
            pltpu.SemaphoreType.DMA,
            pltpu.SemaphoreType.DMA,
        ],
    )
    def sc_scatter(y_ref, x_hbm, tok_hbm, fm_hbm, fr_hbm, rs_hbm,
                   midx_v, ridx_v, rsrc_v, tok_v, rrow_v, s0, s1, s2, s3):
        wid = lax.axis_index("s") * _NC + lax.axis_index("c")
        ld0 = pltpu.async_copy(fm_hbm.at[wid], midx_v, s0)
        ld1 = pltpu.async_copy(fr_hbm.at[pl.ds(wid * cr, cr)], ridx_v, s1)
        ld2 = pltpu.async_copy(rs_hbm.at[pl.ds(wid * cr, cr)], rsrc_v, s2)
        ld3 = pltpu.async_copy(tok_hbm, tok_v, s3)
        ld2.wait()
        g = pltpu.async_copy(x_hbm.at[rsrc_v], rrow_v, s2)
        ld0.wait()
        ld3.wait()
        toks = []
        for j in range(ng):
            toks.append(pltpu.async_copy(tok_v, y_ref.at[midx_v.at[j]],
                                         s0 if j % 2 == 0 else s3))
        ld1.wait()
        g.wait()
        cp2 = pltpu.async_copy(rrow_v, y_ref.at[ridx_v], s1)
        for c in toks:
            c.wait()
        cp2.wait()

    return sc_scatter


def _round_up(n, m):
    return ((n + m - 1) // m) * m


def kernel(x, mask_token, mask, idx_b_m, idx_n_m, idx_b_r, idx_n_r, rand_b, rand_n):
    xf = x.reshape(_BN, _D)

    num_mask = idx_b_m.shape[0]
    num_rand = idx_b_r.shape[0]
    m_pad = _round_up(max(num_mask, 1), 8 * _NW)
    r_pad = _round_up(max(num_rand, 1), 8 * _NW)
    cm = m_pad // _NW
    cr = r_pad // _NW

    flat_m = _pad_dup(idx_b_m * _N + idx_n_m, m_pad).reshape(_NW, cm // _TG, _TG)
    flat_r = _pad_dup(idx_b_r * _N + idx_n_r, r_pad)
    rand_src = _pad_dup(rand_b * _N + rand_n, r_pad)
    tok_chunk = jnp.broadcast_to(mask_token.reshape(1, _D), (_TG, _D))

    y = _tc_copy(xf)
    y_ref = jax.new_ref(y)
    _make_sc_scatter(cm, cr)(y_ref, xf, tok_chunk, flat_m, flat_r, rand_src)
    out = jax.freeze(y_ref)
    return out.reshape(_B, _N, _D), mask

# --- scband reference (transcript-rebuilt; emitter-appended) ---
"""Pipeline reference for scband-masked-spectrum-49478023250167 (READ-ONLY COPY).

The authoritative reference and input builder live on the scoring server;
editing this copy changes nothing except your own understanding.
"""

import jax, jax.numpy as jnp
import numpy as np

B, N, D = 4, 4096, 1024
RATIO = 0.15

def setup_inputs(seed: int = 0):
    key = jax.random.key(seed)
    kx, kt = jax.random.split(key)
    x = jax.random.normal(kx, (B, N, D), dtype=jnp.float32)
    mask_token = jax.random.normal(kt, (1, 1, D), dtype=jnp.float32)
    # Data-dependent masking decisions are precomputed with a fixed numpy RNG
    # (faithful to torch's torch.rand / torch.where / torch.randperm / torch.randint logic,
    # but deterministic and with static shapes for jax).
    rng = np.random.default_rng(0)
    mask_np = rng.random((B, N)) < RATIO
    idx_b, idx_n = np.where(mask_np)
    total = int(idx_b.shape[0])
    num_mask = int(0.8 * total)
    num_rand = int(0.1 * total)
    perm = rng.permutation(total)
    m_sel = perm[:num_mask]
    r_sel = perm[num_mask:num_mask + num_rand]
    return {
        "x": x,
        "mask_token": mask_token,
        "mask": jnp.asarray(mask_np),
        "idx_b_m": jnp.asarray(idx_b[m_sel], dtype=jnp.int32),
        "idx_n_m": jnp.asarray(idx_n[m_sel], dtype=jnp.int32),
        "idx_b_r": jnp.asarray(idx_b[r_sel], dtype=jnp.int32),
        "idx_n_r": jnp.asarray(idx_n[r_sel], dtype=jnp.int32),
        "rand_b": jnp.asarray(rng.integers(0, B, num_rand), dtype=jnp.int32),
        "rand_n": jnp.asarray(rng.integers(0, N, num_rand), dtype=jnp.int32),
    }

def reference(x, mask_token, mask, idx_b_m, idx_n_m, idx_b_r, idx_n_r, rand_b, rand_n):
    # x_masked = x.clone(); x_masked[idx_b[mask_idx], idx_n[mask_idx]] = mask_token
    tok = jnp.broadcast_to(mask_token[0, 0], (idx_b_m.shape[0], x.shape[-1]))
    x_masked = x.at[idx_b_m, idx_n_m].set(tok)
    # random replacement tokens gathered from ORIGINAL x (as in torch source)
    random_tokens = x[rand_b, rand_n]
    x_masked = x_masked.at[idx_b_r, idx_n_r].set(random_tokens)
    return x_masked, mask

if __name__ == "__main__":
    import jax
    _d = setup_inputs()
    print(jax.jit(kernel)(*tuple(_d.values())))

</pallas_src>

<mosaic_0001>
#map = affine_map<(d0, d1) -> (0, 0)>
#map1 = affine_map<(d0, d1) -> (0, 0, 0)>
#map2 = affine_map<(d0, d1) -> (0)>
module attributes {stable_mosaic.version = 14 : i64} {
  func.func @new_body(%arg0: i32, %arg1: i32, %arg2: memref<16384x1024xf32, #tpu.memory_space<hbm>>, %arg3: memref<16384x1024xf32, #tpu.memory_space<hbm>>, %arg4: memref<8x1024xf32, #tpu.memory_space<hbm>>, %arg5: memref<32x8x8xi32, #tpu.memory_space<hbm>>, %arg6: memref<256xi32, #tpu.memory_space<hbm>>, %arg7: memref<256xi32, #tpu.memory_space<hbm>>, %arg8: memref<16384x1024xf32, #tpu.memory_space<hbm>>, %arg9: memref<8x8xi32, #tpu.memory_space<vmem>>, %arg10: memref<8xi32, #tpu.memory_space<vmem>>, %arg11: memref<8xi32, #tpu.memory_space<vmem>>, %arg12: memref<8x1024xf32, #tpu.memory_space<vmem>>, %arg13: memref<8x1024xf32, #tpu.memory_space<vmem>>, %arg14: memref<!tpu.dma_semaphore, #tpu.memory_space<semaphore_mem>>, %arg15: memref<!tpu.dma_semaphore, #tpu.memory_space<semaphore_mem>>, %arg16: memref<!tpu.dma_semaphore, #tpu.memory_space<semaphore_mem>>, %arg17: memref<!tpu.dma_semaphore, #tpu.memory_space<semaphore_mem>>) attributes {dimension_semantics = [#tpu.dimension_semantics<core_parallel>, #tpu.dimension_semantics<subcore_parallel>], iteration_bounds = array<i64: 2, 16>, scalar_prefetch = 0 : i64, scratch_operands = 9 : i64, tpu.core_type = #tpu.core_type<sc_vector_subcore>, window_params = [{transform_indices = #map}, {transform_indices = #map}, {transform_indices = #map}, {transform_indices = #map1}, {transform_indices = #map2}, {transform_indices = #map2}, {transform_indices = #map}]} {
    %mul3A = arith.constant 2 : i32
    %mul3A_0 = arith.muli %arg1, %mul3A : i32
    %add3A = arith.addi %mul3A_0, %arg0 : i32
    %dma_start3A = arith.constant 0 : i32
    %dma_start3A_1 = arith.constant 0 : i32
    %dma_start3A_2 = tpu.memref_slice %arg5[%add3A, %dma_start3A, %dma_start3A_1] : memref<32x8x8xi32, #tpu.memory_space<hbm>> -> memref<1x8x8xi32, #tpu.memory_space<hbm>>
    %dma_start3A_3 = tpu.memref_squeeze %dma_start3A_2 : memref<1x8x8xi32, #tpu.memory_space<hbm>> -> memref<8x8xi32, #tpu.memory_space<hbm>>
    %dma_start3A_4 = arith.constant 0 : i32
    %dma_start3A_5 = arith.constant 0 : i32
    %dma_start3A_6 = tpu.memref_slice %arg5[%add3A, %dma_start3A_4, %dma_start3A_5] : memref<32x8x8xi32, #tpu.memory_space<hbm>> -> memref<1x8x8xi32, #tpu.memory_space<hbm>>
    %dma_start3A_7 = tpu.memref_squeeze %dma_start3A_6 : memref<1x8x8xi32, #tpu.memory_space<hbm>> -> memref<8x8xi32, #tpu.memory_space<hbm>>
    tpu.enqueue_dma source(%dma_start3A_7 : memref<8x8xi32, #tpu.memory_space<hbm>>) target(%arg9 : memref<8x8xi32, #tpu.memory_space<vmem>>) target_semaphore(%arg14 : memref<!tpu.dma_semaphore, #tpu.memory_space<semaphore_mem>>)
    %mul3A_8 = arith.constant 8 : i32
    %mul3A_9 = arith.muli %add3A, %mul3A_8 : i32
    %dma_start3A_10 = tpu.memref_slice %arg6[%mul3A_9] : memref<256xi32, #tpu.memory_space<hbm>> -> memref<8xi32, #tpu.memory_space<hbm>>
    %dma_start3A_11 = tpu.memref_slice %arg6[%mul3A_9] : memref<256xi32, #tpu.memory_space<hbm>> -> memref<8xi32, #tpu.memory_space<hbm>>
    tpu.enqueue_dma source(%dma_start3A_11 : memref<8xi32, #tpu.memory_space<hbm>>) target(%arg10 : memref<8xi32, #tpu.memory_space<vmem>>) target_semaphore(%arg15 : memref<!tpu.dma_semaphore, #tpu.memory_space<semaphore_mem>>)
    %mul3A_12 = arith.constant 8 : i32
    %mul3A_13 = arith.muli %add3A, %mul3A_12 : i32
    %dma_start3A_14 = tpu.memref_slice %arg7[%mul3A_13] : memref<256xi32, #tpu.memory_space<hbm>> -> memref<8xi32, #tpu.memory_space<hbm>>
    %dma_start3A_15 = tpu.memref_slice %arg7[%mul3A_13] : memref<256xi32, #tpu.memory_space<hbm>> -> memref<8xi32, #tpu.memory_space<hbm>>
    tpu.enqueue_dma source(%dma_start3A_15 : memref<8xi32, #tpu.memory_space<hbm>>) target(%arg11 : memref<8xi32, #tpu.memory_space<vmem>>) target_semaphore(%arg16 : memref<!tpu.dma_semaphore, #tpu.memory_space<semaphore_mem>>)
    tpu.enqueue_dma source(%arg4 : memref<8x1024xf32, #tpu.memory_space<hbm>>) target(%arg12 : memref<8x1024xf32, #tpu.memory_space<vmem>>) target_semaphore(%arg17 : memref<!tpu.dma_semaphore, #tpu.memory_space<semaphore_mem>>)
    %dma_wait3A = tpu.memref_slice %arg7[%mul3A_13] : memref<256xi32, #tpu.memory_space<hbm>> -> memref<8xi32, #tpu.memory_space<hbm>>
    %dma_wait3A_16 = tpu.memref_slice %arg7[%mul3A_13] : memref<256xi32, #tpu.memory_space<hbm>> -> memref<8xi32, #tpu.memory_space<hbm>>
    tpu.wait_dma2 semaphore(%arg16 : memref<!tpu.dma_semaphore, #tpu.memory_space<semaphore_mem>>) src(%dma_wait3A_16 : memref<8xi32, #tpu.memory_space<hbm>>) dst(%arg11 : memref<8xi32, #tpu.memory_space<vmem>>)
    %dma_start3A_17 = arith.constant 0 : i32
    %dma_start3A_18 = arith.constant 0 : i32
    %dma_start3A_19 = tpu.memref_slice %arg3[%dma_start3A_17, %dma_start3A_18] : memref<16384x1024xf32, #tpu.memory_space<hbm>> -> memref<16384x1024xf32, #tpu.memory_space<hbm>>
    tpu.enqueue_indirect_dma source(%dma_start3A_19 : memref<16384x1024xf32, #tpu.memory_space<hbm>>) target(%arg13 : memref<8x1024xf32, #tpu.memory_space<vmem>>) offsets(%arg11 : memref<8xi32, #tpu.memory_space<vmem>>) semaphore(%arg16 : memref<!tpu.dma_semaphore, #tpu.memory_space<semaphore_mem>>)
    %dma_wait3A_20 = arith.constant 0 : i32
    %dma_wait3A_21 = arith.constant 0 : i32
    %dma_wait3A_22 = tpu.memref_slice %arg5[%add3A, %dma_wait3A_20, %dma_wait3A_21] : memref<32x8x8xi32, #tpu.memory_space<hbm>> -> memref<1x8x8xi32, #tpu.memory_space<hbm>>
    %dma_wait3A_23 = tpu.memref_squeeze %dma_wait3A_22 : memref<1x8x8xi32, #tpu.memory_space<hbm>> -> memref<8x8xi32, #tpu.memory_space<hbm>>
    %dma_wait3A_24 = arith.constant 0 : i32
    %dma_wait3A_25 = arith.constant 0 : i32
    %dma_wait3A_26 = tpu.memref_slice %arg5[%add3A, %dma_wait3A_24, %dma_wait3A_25] : memref<32x8x8xi32, #tpu.memory_space<hbm>> -> memref<1x8x8xi32, #tpu.memory_space<hbm>>
    %dma_wait3A_27 = tpu.memref_squeeze %dma_wait3A_26 : memref<1x8x8xi32, #tpu.memory_space<hbm>> -> memref<8x8xi32, #tpu.memory_space<hbm>>
    tpu.wait_dma2 semaphore(%arg14 : memref<!tpu.dma_semaphore, #tpu.memory_space<semaphore_mem>>) src(%dma_wait3A_27 : memref<8x8xi32, #tpu.memory_space<hbm>>) dst(%arg9 : memref<8x8xi32, #tpu.memory_space<vmem>>)
    tpu.wait_dma2 semaphore(%arg17 : memref<!tpu.dma_semaphore, #tpu.memory_space<semaphore_mem>>) src(%arg4 : memref<8x1024xf32, #tpu.memory_space<hbm>>) dst(%arg12 : memref<8x1024xf32, #tpu.memory_space<vmem>>)
    %dma_start3A_28 = arith.constant 0 : i32
    %dma_start3A_29 = arith.constant 0 : i32
    %dma_start3A_30 = tpu.memref_slice %arg9[%dma_start3A_28, %dma_start3A_29] : memref<8x8xi32, #tpu.memory_space<vmem>> -> memref<1x8xi32, #tpu.memory_space<vmem>>
    %dma_start3A_31 = tpu.memref_squeeze %dma_start3A_30 : memref<1x8xi32, #tpu.memory_space<vmem>> -> memref<8xi32, #tpu.memory_space<vmem>>
    %dma_start3A_32 = arith.constant 0 : i32
    %dma_start3A_33 = arith.constant 0 : i32
    %dma_start3A_34 = tpu.memref_slice %arg2[%dma_start3A_32, %dma_start3A_33] : memref<16384x1024xf32, #tpu.memory_space<hbm>> -> memref<16384x1024xf32, #tpu.memory_space<hbm>>
    tpu.enqueue_indirect_dma source(%arg12 : memref<8x1024xf32, #tpu.memory_space<vmem>>) target(%dma_start3A_34 : memref<16384x1024xf32, #tpu.memory_space<hbm>>) offsets(%dma_start3A_31 : memref<8xi32, #tpu.memory_space<vmem>>) semaphore(%arg14 : memref<!tpu.dma_semaphore, #tpu.memory_space<semaphore_mem>>)
    %dma_start3A_35 = arith.constant 1 : i32
    %dma_start3A_36 = arith.constant 0 : i32
    %dma_start3A_37 = tpu.memref_slice %arg9[%dma_start3A_35, %dma_start3A_36] : memref<8x8xi32, #tpu.memory_space<vmem>> -> memref<1x8xi32, #tpu.memory_space<vmem>>
    %dma_start3A_38 = tpu.memref_squeeze %dma_start3A_37 : memref<1x8xi32, #tpu.memory_space<vmem>> -> memref<8xi32, #tpu.memory_space<vmem>>
    %dma_start3A_39 = arith.constant 0 : i32
    %dma_start3A_40 = arith.constant 0 : i32
    %dma_start3A_41 = tpu.memref_slice %arg2[%dma_start3A_39, %dma_start3A_40] : memref<16384x1024xf32, #tpu.memory_space<hbm>> -> memref<16384x1024xf32, #tpu.memory_space<hbm>>
    tpu.enqueue_indirect_dma source(%arg12 : memref<8x1024xf32, #tpu.memory_space<vmem>>) target(%dma_start3A_41 : memref<16384x1024xf32, #tpu.memory_space<hbm>>) offsets(%dma_start3A_38 : memref<8xi32, #tpu.memory_space<vmem>>) semaphore(%arg17 : memref<!tpu.dma_semaphore, #tpu.memory_space<semaphore_mem>>)
    %dma_start3A_42 = arith.constant 2 : i32
    %dma_start3A_43 = arith.constant 0 : i32
    %dma_start3A_44 = tpu.memref_slice %arg9[%dma_start3A_42, %dma_start3A_43] : memref<8x8xi32, #tpu.memory_space<vmem>> -> memref<1x8xi32, #tpu.memory_space<vmem>>
    %dma_start3A_45 = tpu.memref_squeeze %dma_start3A_44 : memref<1x8xi32, #tpu.memory_space<vmem>> -> memref<8xi32, #tpu.memory_space<vmem>>
    %dma_start3A_46 = arith.constant 0 : i32
    %dma_start3A_47 = arith.constant 0 : i32
    %dma_start3A_48 = tpu.memref_slice %arg2[%dma_start3A_46, %dma_start3A_47] : memref<16384x1024xf32, #tpu.memory_space<hbm>> -> memref<16384x1024xf32, #tpu.memory_space<hbm>>
    tpu.enqueue_indirect_dma source(%arg12 : memref<8x1024xf32, #tpu.memory_space<vmem>>) target(%dma_start3A_48 : memref<16384x1024xf32, #tpu.memory_space<hbm>>) offsets(%dma_start3A_45 : memref<8xi32, #tpu.memory_space<vmem>>) semaphore(%arg14 : memref<!tpu.dma_semaphore, #tpu.memory_space<semaphore_mem>>)
    %dma_start3A_49 = arith.constant 3 : i32
    %dma_start3A_50 = arith.constant 0 : i32
    %dma_start3A_51 = tpu.memref_slice %arg9[%dma_start3A_49, %dma_start3A_50] : memref<8x8xi32, #tpu.memory_space<vmem>> -> memref<1x8xi32, #tpu.memory_space<vmem>>
    %dma_start3A_52 = tpu.memref_squeeze %dma_start3A_51 : memref<1x8xi32, #tpu.memory_space<vmem>> -> memref<8xi32, #tpu.memory_space<vmem>>
    %dma_start3A_53 = arith.constant 0 : i32
    %dma_start3A_54 = arith.constant 0 : i32
    %dma_start3A_55 = tpu.memref_slice %arg2[%dma_start3A_53, %dma_start3A_54] : memref<16384x1024xf32, #tpu.memory_space<hbm>> -> memref<16384x1024xf32, #tpu.memory_space<hbm>>
    tpu.enqueue_indirect_dma source(%arg12 : memref<8x1024xf32, #tpu.memory_space<vmem>>) target(%dma_start3A_55 : memref<16384x1024xf32, #tpu.memory_space<hbm>>) offsets(%dma_start3A_52 : memref<8xi32, #tpu.memory_space<vmem>>) semaphore(%arg17 : memref<!tpu.dma_semaphore, #tpu.memory_space<semaphore_mem>>)
    %dma_start3A_56 = arith.constant 4 : i32
    %dma_start3A_57 = arith.constant 0 : i32
    %dma_start3A_58 = tpu.memref_slice %arg9[%dma_start3A_56, %dma_start3A_57] : memref<8x8xi32, #tpu.memory_space<vmem>> -> memref<1x8xi32, #tpu.memory_space<vmem>>
    %dma_start3A_59 = tpu.memref_squeeze %dma_start3A_58 : memref<1x8xi32, #tpu.memory_space<vmem>> -> memref<8xi32, #tpu.memory_space<vmem>>
    %dma_start3A_60 = arith.constant 0 : i32
    %dma_start3A_61 = arith.constant 0 : i32
    %dma_start3A_62 = tpu.memref_slice %arg2[%dma_start3A_60, %dma_start3A_61] : memref<16384x1024xf32, #tpu.memory_space<hbm>> -> memref<16384x1024xf32, #tpu.memory_space<hbm>>
    tpu.enqueue_indirect_dma source(%arg12 : memref<8x1024xf32, #tpu.memory_space<vmem>>) target(%dma_start3A_62 : memref<16384x1024xf32, #tpu.memory_space<hbm>>) offsets(%dma_start3A_59 : memref<8xi32, #tpu.memory_space<vmem>>) semaphore(%arg14 : memref<!tpu.dma_semaphore, #tpu.memory_space<semaphore_mem>>)
    %dma_start3A_63 = arith.constant 5 : i32
    %dma_start3A_64 = arith.constant 0 : i32
    %dma_start3A_65 = tpu.memref_slice %arg9[%dma_start3A_63, %dma_start3A_64] : memref<8x8xi32, #tpu.memory_space<vmem>> -> memref<1x8xi32, #tpu.memory_space<vmem>>
    %dma_start3A_66 = tpu.memref_squeeze %dma_start3A_65 : memref<1x8xi32, #tpu.memory_space<vmem>> -> memref<8xi32, #tpu.memory_space<vmem>>
    %dma_start3A_67 = arith.constant 0 : i32
    %dma_start3A_68 = arith.constant 0 : i32
    %dma_start3A_69 = tpu.memref_slice %arg2[%dma_start3A_67, %dma_start3A_68] : memref<16384x1024xf32, #tpu.memory_space<hbm>> -> memref<16384x1024xf32, #tpu.memory_space<hbm>>
    tpu.enqueue_indirect_dma source(%arg12 : memref<8x1024xf32, #tpu.memory_space<vmem>>) target(%dma_start3A_69 : memref<16384x1024xf32, #tpu.memory_space<hbm>>) offsets(%dma_start3A_66 : memref<8xi32, #tpu.memory_space<vmem>>) semaphore(%arg17 : memref<!tpu.dma_semaphore, #tpu.memory_space<semaphore_mem>>)
    %dma_start3A_70 = arith.constant 6 : i32
    %dma_start3A_71 = arith.constant 0 : i32
    %dma_start3A_72 = tpu.memref_slice %arg9[%dma_start3A_70, %dma_start3A_71] : memref<8x8xi32, #tpu.memory_space<vmem>> -> memref<1x8xi32, #tpu.memory_space<vmem>>
    %dma_start3A_73 = tpu.memref_squeeze %dma_start3A_72 : memref<1x8xi32, #tpu.memory_space<vmem>> -> memref<8xi32, #tpu.memory_space<vmem>>
    %dma_start3A_74 = arith.constant 0 : i32
    %dma_start3A_75 = arith.constant 0 : i32
    %dma_start3A_76 = tpu.memref_slice %arg2[%dma_start3A_74, %dma_start3A_75] : memref<16384x1024xf32, #tpu.memory_space<hbm>> -> memref<16384x1024xf32, #tpu.memory_space<hbm>>
    tpu.enqueue_indirect_dma source(%arg12 : memref<8x1024xf32, #tpu.memory_space<vmem>>) target(%dma_start3A_76 : memref<16384x1024xf32, #tpu.memory_space<hbm>>) offsets(%dma_start3A_73 : memref<8xi32, #tpu.memory_space<vmem>>) semaphore(%arg14 : memref<!tpu.dma_semaphore, #tpu.memory_space<semaphore_mem>>)
    %dma_start3A_77 = arith.constant 7 : i32
    %dma_start3A_78 = arith.constant 0 : i32
    %dma_start3A_79 = tpu.memref_slice %arg9[%dma_start3A_77, %dma_start3A_78] : memref<8x8xi32, #tpu.memory_space<vmem>> -> memref<1x8xi32, #tpu.memory_space<vmem>>
    %dma_start3A_80 = tpu.memref_squeeze %dma_start3A_79 : memref<1x8xi32, #tpu.memory_space<vmem>> -> memref<8xi32, #tpu.memory_space<vmem>>
    %dma_start3A_81 = arith.constant 0 : i32
    %dma_start3A_82 = arith.constant 0 : i32
    %dma_start3A_83 = tpu.memref_slice %arg2[%dma_start3A_81, %dma_start3A_82] : memref<16384x1024xf32, #tpu.memory_space<hbm>> -> memref<16384x1024xf32, #tpu.memory_space<hbm>>
    tpu.enqueue_indirect_dma source(%arg12 : memref<8x1024xf32, #tpu.memory_space<vmem>>) target(%dma_start3A_83 : memref<16384x1024xf32, #tpu.memory_space<hbm>>) offsets(%dma_start3A_80 : memref<8xi32, #tpu.memory_space<vmem>>) semaphore(%arg17 : memref<!tpu.dma_semaphore, #tpu.memory_space<semaphore_mem>>)
    %dma_wait3A_84 = tpu.memref_slice %arg6[%mul3A_9] : memref<256xi32, #tpu.memory_space<hbm>> -> memref<8xi32, #tpu.memory_space<hbm>>
    %dma_wait3A_85 = tpu.memref_slice %arg6[%mul3A_9] : memref<256xi32, #tpu.memory_space<hbm>> -> memref<8xi32, #tpu.memory_space<hbm>>
    tpu.wait_dma2 semaphore(%arg15 : memref<!tpu.dma_semaphore, #tpu.memory_space<semaphore_mem>>) src(%dma_wait3A_85 : memref<8xi32, #tpu.memory_space<hbm>>) dst(%arg10 : memref<8xi32, #tpu.memory_space<vmem>>)
    %dma_wait3A_86 = arith.constant 0 : i32
    %dma_wait3A_87 = arith.constant 0 : i32
    %dma_wait3A_88 = tpu.memref_slice %arg3[%dma_wait3A_86, %dma_wait3A_87] : memref<16384x1024xf32, #tpu.memory_space<hbm>> -> memref<16384x1024xf32, #tpu.memory_space<hbm>>
    tpu.wait_indirect_dma semaphore(%arg16 : memref<!tpu.dma_semaphore, #tpu.memory_space<semaphore_mem>>) src(%dma_wait3A_88 : memref<16384x1024xf32, #tpu.memory_space<hbm>>) dst(%arg13 : memref<8x1024xf32, #tpu.memory_space<vmem>>)
    %dma_start3A_89 = arith.constant 0 : i32
    %dma_start3A_90 = arith.constant 0 : i32
    %dma_start3A_91 = tpu.memref_slice %arg2[%dma_start3A_89, %dma_start3A_90] : memref<16384x1024xf32, #tpu.memory_space<hbm>> -> memref<16384x1024xf32, #tpu.memory_space<hbm>>
    tpu.enqueue_indirect_dma source(%arg13 : memref<8x1024xf32, #tpu.memory_space<vmem>>) target(%dma_start3A_91 : memref<16384x1024xf32, #tpu.memory_space<hbm>>) offsets(%arg10 : memref<8xi32, #tpu.memory_space<vmem>>) semaphore(%arg15 : memref<!tpu.dma_semaphore, #tpu.memory_space<semaphore_mem>>)
    %dma_wait3A_92 = arith.constant 0 : i32
    %dma_wait3A_93 = arith.constant 0 : i32
    %dma_wait3A_94 = tpu.memref_slice %arg9[%dma_wait3A_92, %dma_wait3A_93] : memref<8x8xi32, #tpu.memory_space<vmem>> -> memref<1x8xi32, #tpu.memory_space<vmem>>
    %dma_wait3A_95 = tpu.memref_squeeze %dma_wait3A_94 : memref<1x8xi32, #tpu.memory_space<vmem>> -> memref<8xi32, #tpu.memory_space<vmem>>
    %dma_wait3A_96 = arith.constant 0 : i32
    %dma_wait3A_97 = arith.constant 0 : i32
    %dma_wait3A_98 = tpu.memref_slice %arg2[%dma_wait3A_96, %dma_wait3A_97] : memref<16384x1024xf32, #tpu.memory_space<hbm>> -> memref<16384x1024xf32, #tpu.memory_space<hbm>>
    tpu.wait_indirect_dma semaphore(%arg14 : memref<!tpu.dma_semaphore, #tpu.memory_space<semaphore_mem>>) src(%arg12 : memref<8x1024xf32, #tpu.memory_space<vmem>>) dst(%dma_wait3A_98 : memref<16384x1024xf32, #tpu.memory_space<hbm>>)
    %dma_wait3A_99 = arith.constant 1 : i32
    %dma_wait3A_100 = arith.constant 0 : i32
    %dma_wait3A_101 = tpu.memref_slice %arg9[%dma_wait3A_99, %dma_wait3A_100] : memref<8x8xi32, #tpu.memory_space<vmem>> -> memref<1x8xi32, #tpu.memory_space<vmem>>
    %dma_wait3A_102 = tpu.memref_squeeze %dma_wait3A_101 : memref<1x8xi32, #tpu.memory_space<vmem>> -> memref<8xi32, #tpu.memory_space<vmem>>
    %dma_wait3A_103 = arith.constant 0 : i32
    %dma_wait3A_104 = arith.constant 0 : i32
    %dma_wait3A_105 = tpu.memref_slice %arg2[%dma_wait3A_103, %dma_wait3A_104] : memref<16384x1024xf32, #tpu.memory_space<hbm>> -> memref<16384x1024xf32, #tpu.memory_space<hbm>>
    tpu.wait_indirect_dma semaphore(%arg17 : memref<!tpu.dma_semaphore, #tpu.memory_space<semaphore_mem>>) src(%arg12 : memref<8x1024xf32, #tpu.memory_space<vmem>>) dst(%dma_wait3A_105 : memref<16384x1024xf32, #tpu.memory_space<hbm>>)
    %dma_wait3A_106 = arith.constant 2 : i32
    %dma_wait3A_107 = arith.constant 0 : i32
    %dma_wait3A_108 = tpu.memref_slice %arg9[%dma_wait3A_106, %dma_wait3A_107] : memref<8x8xi32, #tpu.memory_space<vmem>> -> memref<1x8xi32, #tpu.memory_space<vmem>>
    %dma_wait3A_109 = tpu.memref_squeeze %dma_wait3A_108 : memref<1x8xi32, #tpu.memory_space<vmem>> -> memref<8xi32, #tpu.memory_space<vmem>>
    %dma_wait3A_110 = arith.constant 0 : i32
    %dma_wait3A_111 = arith.constant 0 : i32
    %dma_wait3A_112 = tpu.memref_slice %arg2[%dma_wait3A_110, %dma_wait3A_111] : memref<16384x1024xf32, #tpu.memory_space<hbm>> -> memref<16384x1024xf32, #tpu.memory_space<hbm>>
    tpu.wait_indirect_dma semaphore(%arg14 : memref<!tpu.dma_semaphore, #tpu.memory_space<semaphore_mem>>) src(%arg12 : memref<8x1024xf32, #tpu.memory_space<vmem>>) dst(%dma_wait3A_112 : memref<16384x1024xf32, #tpu.memory_space<hbm>>)
    %dma_wait3A_113 = arith.constant 3 : i32
    %dma_wait3A_114 = arith.constant 0 : i32
    %dma_wait3A_115 = tpu.memref_slice %arg9[%dma_wait3A_113, %dma_wait3A_114] : memref<8x8xi32, #tpu.memory_space<vmem>> -> memref<1x8xi32, #tpu.memory_space<vmem>>
    %dma_wait3A_116 = tpu.memref_squeeze %dma_wait3A_115 : memref<1x8xi32, #tpu.memory_space<vmem>> -> memref<8xi32, #tpu.memory_space<vmem>>
    %dma_wait3A_117 = arith.constant 0 : i32
    %dma_wait3A_118 = arith.constant 0 : i32
    %dma_wait3A_119 = tpu.memref_slice %arg2[%dma_wait3A_117, %dma_wait3A_118] : memref<16384x1024xf32, #tpu.memory_space<hbm>> -> memref<16384x1024xf32, #tpu.memory_space<hbm>>
    tpu.wait_indirect_dma semaphore(%arg17 : memref<!tpu.dma_semaphore, #tpu.memory_space<semaphore_mem>>) src(%arg12 : memref<8x1024xf32, #tpu.memory_space<vmem>>) dst(%dma_wait3A_119 : memref<16384x1024xf32, #tpu.memory_space<hbm>>)
    %dma_wait3A_120 = arith.constant 4 : i32
    %dma_wait3A_121 = arith.constant 0 : i32
    %dma_wait3A_122 = tpu.memref_slice %arg9[%dma_wait3A_120, %dma_wait3A_121] : memref<8x8xi32, #tpu.memory_space<vmem>> -> memref<1x8xi32, #tpu.memory_space<vmem>>
    %dma_wait3A_123 = tpu.memref_squeeze %dma_wait3A_122 : memref<1x8xi32, #tpu.memory_space<vmem>> -> memref<8xi32, #tpu.memory_space<vmem>>
    %dma_wait3A_124 = arith.constant 0 : i32
    %dma_wait3A_125 = arith.constant 0 : i32
    %dma_wait3A_126 = tpu.memref_slice %arg2[%dma_wait3A_124, %dma_wait3A_125] : memref<16384x1024xf32, #tpu.memory_space<hbm>> -> memref<16384x1024xf32, #tpu.memory_space<hbm>>
    tpu.wait_indirect_dma semaphore(%arg14 : memref<!tpu.dma_semaphore, #tpu.memory_space<semaphore_mem>>) src(%arg12 : memref<8x1024xf32, #tpu.memory_space<vmem>>) dst(%dma_wait3A_126 : memref<16384x1024xf32, #tpu.memory_space<hbm>>)
    %dma_wait3A_127 = arith.constant 5 : i32
    %dma_wait3A_128 = arith.constant 0 : i32
    %dma_wait3A_129 = tpu.memref_slice %arg9[%dma_wait3A_127, %dma_wait3A_128] : memref<8x8xi32, #tpu.memory_space<vmem>> -> memref<1x8xi32, #tpu.memory_space<vmem>>
    %dma_wait3A_130 = tpu.memref_squeeze %dma_wait3A_129 : memref<1x8xi32, #tpu.memory_space<vmem>> -> memref<8xi32, #tpu.memory_space<vmem>>
    %dma_wait3A_131 = arith.constant 0 : i32
    %dma_wait3A_132 = arith.constant 0 : i32
    %dma_wait3A_133 = tpu.memref_slice %arg2[%dma_wait3A_131, %dma_wait3A_132] : memref<16384x1024xf32, #tpu.memory_space<hbm>> -> memref<16384x1024xf32, #tpu.memory_space<hbm>>
    tpu.wait_indirect_dma semaphore(%arg17 : memref<!tpu.dma_semaphore, #tpu.memory_space<semaphore_mem>>) src(%arg12 : memref<8x1024xf32, #tpu.memory_space<vmem>>) dst(%dma_wait3A_133 : memref<16384x1024xf32, #tpu.memory_space<hbm>>)
    %dma_wait3A_134 = arith.constant 6 : i32
    %dma_wait3A_135 = arith.constant 0 : i32
    %dma_wait3A_136 = tpu.memref_slice %arg9[%dma_wait3A_134, %dma_wait3A_135] : memref<8x8xi32, #tpu.memory_space<vmem>> -> memref<1x8xi32, #tpu.memory_space<vmem>>
    %dma_wait3A_137 = tpu.memref_squeeze %dma_wait3A_136 : memref<1x8xi32, #tpu.memory_space<vmem>> -> memref<8xi32, #tpu.memory_space<vmem>>
    %dma_wait3A_138 = arith.constant 0 : i32
    %dma_wait3A_139 = arith.constant 0 : i32
    %dma_wait3A_140 = tpu.memref_slice %arg2[%dma_wait3A_138, %dma_wait3A_139] : memref<16384x1024xf32, #tpu.memory_space<hbm>> -> memref<16384x1024xf32, #tpu.memory_space<hbm>>
    tpu.wait_indirect_dma semaphore(%arg14 : memref<!tpu.dma_semaphore, #tpu.memory_space<semaphore_mem>>) src(%arg12 : memref<8x1024xf32, #tpu.memory_space<vmem>>) dst(%dma_wait3A_140 : memref<16384x1024xf32, #tpu.memory_space<hbm>>)
    %dma_wait3A_141 = arith.constant 7 : i32
    %dma_wait3A_142 = arith.constant 0 : i32
    %dma_wait3A_143 = tpu.memref_slice %arg9[%dma_wait3A_141, %dma_wait3A_142] : memref<8x8xi32, #tpu.memory_space<vmem>> -> memref<1x8xi32, #tpu.memory_space<vmem>>
    %dma_wait3A_144 = tpu.memref_squeeze %dma_wait3A_143 : memref<1x8xi32, #tpu.memory_space<vmem>> -> memref<8xi32, #tpu.memory_space<vmem>>
    %dma_wait3A_145 = arith.constant 0 : i32
    %dma_wait3A_146 = arith.constant 0 : i32
    %dma_wait3A_147 = tpu.memref_slice %arg2[%dma_wait3A_145, %dma_wait3A_146] : memref<16384x1024xf32, #tpu.memory_space<hbm>> -> memref<16384x1024xf32, #tpu.memory_space<hbm>>
    tpu.wait_indirect_dma semaphore(%arg17 : memref<!tpu.dma_semaphore, #tpu.memory_space<semaphore_mem>>) src(%arg12 : memref<8x1024xf32, #tpu.memory_space<vmem>>) dst(%dma_wait3A_147 : memref<16384x1024xf32, #tpu.memory_space<hbm>>)
    %dma_wait3A_148 = arith.constant 0 : i32
    %dma_wait3A_149 = arith.constant 0 : i32
    %dma_wait3A_150 = tpu.memref_slice %arg2[%dma_wait3A_148, %dma_wait3A_149] : memref<16384x1024xf32, #tpu.memory_space<hbm>> -> memref<16384x1024xf32, #tpu.memory_space<hbm>>
    tpu.wait_indirect_dma semaphore(%arg15 : memref<!tpu.dma_semaphore, #tpu.memory_space<semaphore_mem>>) src(%arg13 : memref<8x1024xf32, #tpu.memory_space<vmem>>) dst(%dma_wait3A_150 : memref<16384x1024xf32, #tpu.memory_space<hbm>>)
    return
  }
}

module attributes {stable_mosaic.version = 14 : i64} {
  func.func @_copy_body(%arg0: i32, %arg1: memref<2048x1024xf32, #tpu.memory_space<vmem>>, %arg2: memref<2048x1024xf32, #tpu.memory_space<vmem>>) attributes {dimension_semantics = [#tpu.dimension_semantics<arbitrary>], iteration_bounds = array<i64: 8>, scalar_prefetch = 0 : i64, scratch_operands = 0 : i64, tpu.core_type = #tpu.core_type<tc>, window_params = [{transform_indices = @transform_0, window_bounds = array<i64: 2048, 1024>}, {transform_indices = @transform_1, window_bounds = array<i64: 2048, 1024>}]} {
    %get3A = arith.constant 0 : index
    %get3A_0 = arith.constant 0 : index
    %get3A_1 = vector.load %arg1[%get3A, %get3A_0] : memref<2048x1024xf32, #tpu.memory_space<vmem>>, vector<2048x1024xf32>
    %swap3A = arith.constant 0 : index
    %swap3A_2 = arith.constant 0 : index
    %swap3A_3 = vector.load %arg2[%swap3A, %swap3A_2] : memref<2048x1024xf32, #tpu.memory_space<vmem>>, vector<2048x1024xf32>
    tpu.vector_store %arg2[%swap3A, %swap3A_2], %get3A_1 {strides = array<i32>} : memref<2048x1024xf32, #tpu.memory_space<vmem>>, vector<2048x1024xf32>,
    return
  }
  func.func @transform_0(%arg0: i32) -> (i32, i32) {
    %c0_i32 = arith.constant 0 : i32
    %c0_i32_0 = arith.constant 0 : i32
    return %arg0, %c0_i32 : i32, i32
  }
  func.func @transform_1(%arg0: i32) -> (i32, i32) {
    %c0_i32 = arith.constant 0 : i32
    %c0_i32_0 = arith.constant 0 : i32
    return %arg0, %c0_i32 : i32, i32
  }
}

</mosaic_0001>

<sc_bundles>
// kernel: kernel.4.cloned.1.call-start
scs
__scs_entry_jumppad:
0x0: {  	(pc) =	sbr.rel $0x88, $3  }
0x1: {  	(tag) =	ssettag $0x0;
	lr =	simm.s32 $0x1  }
0x2: {  	[smem:$0x3F98] =	sst lr;
	_ =	strace $0xD0000000  }
0x3: {  	_ = 	snop  }
0x4: {  	_ = 	snop  }
0x5: {  	_ = 	snop  }
0x6: {  	_ = 	snop  }
0x7: {  	_ = 	snop  }
__scs_overlays_trampoline_lowered:
0x8: {  	[smem:$0x3FA7] =	sst s0  }
0x9: {  	[smem:$0x3FA8] =	sst s1  }
0xa: {  	[smem:$0x3FA9] =	sst s2  }
0xb: {  	[smem:$0x3FAA] =	sst s3  }
0xc: {  	[smem:$0x3FAB] =	sst s4  }
0xd: {  	[smem:$0x3FAC] =	sst s5  }
0xe: {  	[smem:$0x3FAD] =	sst s6  }
0xf: {  	[smem:$0x3FAE] =	sst s7  }
0x10: {  	[smem:$0x3FAF] =	sst s8  }
0x11: {  	[smem:$0x3FB0] =	sst s9;
	s0 =	simm.s32 @!p0 $0x0  }
0x12: {  	s1 =	sld [smem:$0x3F96];
	s0 =	simm.s32 @p0 $0x1  }
0x13: {  	[smem:$0x3FB1] =	sst s0;
	s0 =	simm.s32 @!p1 $0x0  }
0x14: {  	s2 =	sld [smem:$0x3F95];
	s0 =	simm.s32 @p1 $0x1  }
0x15: {  	[smem:$0x3FB2] =	sst s0;
	s0 =	simm.s32 @!p2 $0x0  }
0x16: {  	s3 =	sld [smem:$0x3FDB];
	s0 =	simm.s32 @p2 $0x1  }
0x17: {  	s4 =	simm.s32 $0x1BF5;
	[smem:$0x3FB4] =	sst s0  }
0x18: {  	s0 =	sld [smem:$0x3F97];
	_ =	swait.ge [sflag:s4], $0x0  }
0x19: {  	s7 =	sld [smem:$0x3F98]  }
0x1a: {  	s8 =	sadd.s32 $0xFFFFE003, lr  }
0x1b: {  	s9 =	sadd.s32 $0xFFFFFEF7, lr;
	s5 =	simm.s32 $0xFFFFFFFF;
	p2 =	slt.u32 s8, $0xFFFFF086  }
0x1c: {  	p1 =	slt.u32 s9, $0xF7A;
	s5 =	simm.s32 @!p2 $0x0  }
0x1d: {  	s5 =	simm.s32 @p1 $0x1;
	p0 =	seq.s32 s7, s2  }
0x1e: {  	s7 =	smul.u32 @!p0 $0xF7A, s2;
	p2 =	seq.s32 @!p0 s5, $0x0  }
0x1f: {  	s9 =	smul.u32 $0xF7A, s1;
	s8 =	simm.s32 @!p0 $0x1BF5;
	p2 =	por !p2, p0  }
0x20: {  	[sflag:s8] =	ssyncset.s32 @!p0 $0xFFFFF086;
	s6 =	sadd.s32 @!p0 s3, s7;
	s7 =	simm.s32 @!p0 $0x108  }
0x21: {  	s3 =	sadd.s32 s3, s9;
	s6 =	sadd.s32 @!p0 $0x88, s6;
	s7 =	simm.s32 @p2 $0x1082  }
0x22: {  	[simem:s7], [sflag:s8] =	dma.local @!p0 [hbm:s6], $0xF7A  }
0x23: {  	s9 =	sor.u32 $0xD0000000, s2;
	s6 =	simm.s32 $0x108;
	_ =	swait.ge @!p0 [sflag:s8], $0x0  }
0x24: {  	s3 =	sadd.s32 $0x88, s3;
	s6 =	simm.s32 @!p1 $0x1082;
	[sflag:s4] =	ssyncset.s32 $0xFFFFF086  }
0x25: {  	[simem:s6], [sflag:s4] =	dma.local [hbm:s3], $0xF7A  }
0x26: {  	[smem:$0x3F98] =	sst s1;
	(tag) =	ssettag s2;
	_ =	strace s9  }
0x27: {  	s1 =	sld [smem:$0x3FA8]  }
0x28: {  	s2 =	sld [smem:$0x3FA9]  }
0x29: {  	s4 =	sld [smem:$0x3FAB]  }
0x2a: {  	p0 =	seq.s32 s5, $0x0;
	s5 =	sld [smem:$0x3FAC]  }
0x2b: {  	s6 =	sld [smem:$0x3FAD]  }
0x2c: {  	s7 =	sld [smem:$0x3FAE]  }
0x2d: {  	s3 =	simm.s32 $0x108;
	s8 =	sld [smem:$0x3FAF]  }
0x2e: {  	s3 =	simm.s32 @!p0 $0x1082;
	s9 =	sld [smem:$0x3FB0]  }
0x2f: {  	lr =	sadd.s32 s0, s3;
	s0 =	sld [smem:$0x3FA7]  }
0x30: {  	s3 =	sld [smem:$0x3FAA]  }
0x31: {  	[smem:$0x3FB3] =	sst s10  }
0x32: {  	s10 =	sld [smem:$0x3FB1];
	_ =	sdelay $0x3  }
0x33: {  	p0 =	seq.s32 s10, $0x1;
	s10 =	sld [smem:$0x3FB3];
	_ =	sdelay $0x3  }
0x34: {  	[smem:$0x3FB3] =	sst s10  }
0x35: {  	s10 =	sld [smem:$0x3FB2];
	_ =	sdelay $0x3  }
0x36: {  	p1 =	seq.s32 s10, $0x1;
	s10 =	sld [smem:$0x3FB3];
	_ =	sdelay $0x3  }
0x37: {  	[smem:$0x3FB3] =	sst s10  }
0x38: {  	s10 =	sld [smem:$0x3FB4]  }
0x39: {  	_ = 	snop;
	(pc) =	sbr.ind lr, $3  }
0x3a: {  	_ = 	snop  }
0x3b: {  	_ = 	snop  }
0x3c: {  	p2 =	seq.s32 s10, $0x1;
	s10 =	sld [smem:$0x3FB3]  }
0x3d: {  	_ =	shalt  }
0x3e: {  	_ =	shalt  }
0x3f: {  	_ =	shalt  }
0x40: {  	_ =	shalt  }
0x41: {  	_ =	shalt  }
0x42: {  	_ =	shalt  }
0x43: {  	_ =	shalt  }
0x44: {  	_ =	shalt  }
0x45: {  	_ =	shalt  }
0x46: {  	_ =	shalt  }
0x47: {  	_ =	shalt  }
0x48: {  	_ =	shalt  }
0x49: {  	_ =	shalt  }
0x4a: {  	_ =	shalt  }
0x4b: {  	_ =	shalt  }
0x4c: {  	_ =	shalt  }
0x4d: {  	_ =	shalt  }
0x4e: {  	_ =	shalt  }
0x4f: {  	_ =	shalt  }
0x50: {  	_ =	shalt  }
0x51: {  	_ =	shalt  }
0x52: {  	_ =	shalt  }
0x53: {  	_ =	shalt  }
0x54: {  	_ =	shalt  }
0x55: {  	_ =	shalt  }
0x56: {  	_ =	shalt  }
0x57: {  	_ =	shalt  }
0x58: {  	_ =	shalt  }
0x59: {  	_ =	shalt  }
0x5a: {  	_ =	shalt  }
0x5b: {  	_ =	shalt  }
0x5c: {  	_ =	shalt  }
0x5d: {  	_ =	shalt  }
0x5e: {  	_ =	shalt  }
0x5f: {  	_ =	shalt  }
0x60: {  	_ =	shalt  }
0x61: {  	_ =	shalt  }
0x62: {  	_ =	shalt  }
0x63: {  	_ =	shalt  }
0x64: {  	_ =	shalt  }
0x65: {  	_ =	shalt  }
0x66: {  	_ =	shalt  }
0x67: {  	_ =	shalt  }
0x68: {  	_ =	shalt  }
0x69: {  	_ =	shalt  }
0x6a: {  	_ =	shalt  }
0x6b: {  	_ =	shalt  }
0x6c: {  	_ =	shalt  }
0x6d: {  	_ =	shalt  }
0x6e: {  	_ =	shalt  }
0x6f: {  	_ =	shalt  }
0x70: {  	_ =	shalt  }
0x71: {  	_ =	shalt  }
0x72: {  	_ =	shalt  }
0x73: {  	_ =	shalt  }
0x74: {  	_ =	shalt  }
0x75: {  	_ =	shalt  }
0x76: {  	_ =	shalt  }
0x77: {  	_ =	shalt  }
0x78: {  	_ =	shalt  }
0x79: {  	_ =	shalt  }
0x7a: {  	_ =	shalt  }
0x7b: {  	_ =	shalt  }
0x7c: {  	_ =	shalt  }
0x7d: {  	_ =	shalt  }
0x7e: {  	_ =	shalt  }
0x7f: {  	_ =	shalt  }
0x80: {  	_ =	shalt  }
0x81: {  	_ =	shalt  }
0x82: {  	_ =	shalt  }
0x83: {  	_ =	shalt  }
0x84: {  	_ =	shalt  }
0x85: {  	_ =	shalt  }
0x86: {  	_ =	shalt  }
0x87: {  	_ =	shalt  }
.Lfunc_end0:
.L_simem_size_0:
called_computation_lowered:
.L_overlay_start_0:
0x88: {  	s2 =	sld [smem:$0x3FD9]  }
0x89: {  	s3 =	sld [smem:$0x3FFE];
	_ =	sdelay $0x1  }
0x8a: {  	s1 =	srdreg.scid  }
0x8b: {  	s0 =	sand.u32 $0x1, s1  }
0x8c: {  	s14 =	sshll.u32 s0, $0xA;
	s2 =	sadd.s32 s3, s2  }
0x8d: {  	s2 =	sadd.s32 s2, s14  }
0x8e: {  	[smem:$0x3FBF] =	sst s2  }
0x8f: {  	_ = 	snop  }
0x90: {  	s2 =	sld [smem:$0x3FD0];
	_ =	sdelay $0x2  }
0x91: {  	s4 =	simm.s32 $0xA;
	s5 =	simm.s32 $0x10;
	s15 =	sld [smem:$0x3FC9]  }
0x92: {  	[smem:s5], [sflag:s4] =	dma.local [hbm:s2], $0x1  }
0x93: {  	_ =	swait.eq [sflag:s4], $0x1  }
0x94: {  	[sflag:s4] =	ssyncset.done $0x0  }
0x95: {  	s16 =	sld [smem:$0x10];
	[sflag:s4] =	ssyncadd.s32 $0xFFFFFFFF  }
0x96: {  	s17 =	sld [smem:$0x11];
	(tm) =	ssettm $0x1  }
0x97: {  	s18 =	sld [smem:$0x3FFB];
	_ =	sdelay $0x3  }
0x98: {  	_ =	strace s18  }
0x99: {  	s5 =	sld [smem:$0x3FFC];
	_ =	sdelay $0x3  }
0x9a: {  	_ =	strace s5  }
0x9b: {  	s5 =	sld [smem:$0x3FFD];
	_ =	sdelay $0x3  }
0x9c: {  	_ =	strace s5  }
0x9d: {  	_ =	strace $0x8FFFFFFF  }
0x9e: {  	s19 =	sld [smem:$0x3FDB];
	_ =	sdelay $0x1  }
0x9f: {  	s6 =	simm.s32 $_scs_section_size  }
0xa0: {  	s7 =	simm.s32 $_size__tile_overlayer_lowered;
	s8 =	simm.s32 $_tile_overlayer_lowered  }
0xa1: {  	s22 =	simm.s32 $0x1BFF;
	s21 =	sshll.u32 s8, $0x1;
	s5 =	sadd.s32 s6, s19  }
0xa2: {  	s9 =	simm.s32 $0x0;
	s20 =	sshll.u32 s7, $0x1;
	s7 =	sadd.s32 s21, s5  }
0xa3: {  	[timem:s9], [sflag:s22] =	dma.local [hbm:s7], s20  }
0xa4: {  	_ =	swait.ge [sflag:s22], s20  }
0xa5: {  	s6 =	ssub.s32 $0x0, s20;
	[sflag:s22] =	ssyncset.done $0x0  }
0xa6: {  	[sflag:s22] =	ssyncadd.s32 s6;
	_ =	sdelay $0x1  }
0xa7: {  	s23 =	simm.s32 $0x1B8B  }
0xa8: {  	_ =	swait.ge [sflag:s23], $0x1  }
0xa9: {  	[sflag:s23] =	ssyncset.done $0x0  }
0xaa: {  	s25 =	simm.s32 $0x1B8E;
	s24 =	sld [smem:$0x3FFE];
	[sflag:s23] =	ssyncadd.s32 $0xFFFFFFFF  }
0xab: {  	s26 =	simm.s32 $execute0_lowered;
	[smem:$0x3FD2] =	sst s25  }
0xac: {  	s7 =	sshll.u32 s26, $0x1;
	_ =	strace $0x80000046;
	[dreg:$0x1] =	wrdreg $0xFFFFFFFF  }
0xad: {  	s28 =	simm.s32 $_size_execute0_lowered;
	s5 =	sadd.s32 s5, s7;
	[dreg:$0x0] =	wrdreg $0x0  }
0xae: {  	s7 =	sshll.u32 s28, $0x1;
	[dreg:$0x2] =	wrdreg s5  }
0xaf: {  	[dreg:$0x3] =	wrdreg s7  }
0xb0: {  	[dreg:$0x4] =	wrdreg $0xC0  }
0xb1: {  	_ =	task [dreg:s9], $0x5FFFF  }
0xb2: {  	[dreg:$0x1] =	wrdreg $0xFFFFFFFF  }
0xb3: {  	[dreg:$0x0] =	wrdreg $0x60  }
0xb4: {  	[dreg:$0x2] =	wrdreg s16  }
0xb5: {  	[dreg:$0x3] =	wrdreg s15  }
0xb6: {  	[dreg:$0x4] =	wrdreg s24  }
0xb7: {  	[dreg:$0x5] =	wrdreg s17  }
0xb8: {  	[dreg:$0x6] =	wrdreg $0x9  }
0xb9: {  	_ =	task.clear_ibuf [dreg:s9], $0x7FFFF;
	_ =	strace $0x90000046  }
0xba: {  	s29 =	simm.s32 $0x9;
	_ =	strace $0x80000048  }
0xbb: {  	_ =	swait.ge [sflag:s29], $0x1  }
0xbc: {  	[sflag:s29] =	ssyncadd.s32 $0xFFFFFFFF  }
0xbd: {  	_ =	strace $0x90000048  }
0xbe: {  	_ =	sfence  }
0xbf: {  	s30 =	sld [smem:$0x0];
	_ =	sdelay $0x2  }
0xc0: {  	s31 =	sshll.u32 s1, $0xD;
	s1 =	sshrl.u32 s1, $0x2  }
0xc1: {  	s3 =	sand.u32 $0x4000, s31;
	s1 =	sadd.s32 s1, s30  }
0xc2: {  	s0 =	sor.u32 s3, s0;
	s1 =	sshll.u32 s1, $0x11  }
0xc3: {  	s0 =	sor.u32 s1, s0  }
0xc4: {  	s0 =	sadd.s32 $0x8F2B, s0  }
0xc5: {  	[sflag:s0] =	ssyncadd.remote.s32 $0x1  }
0xc6: {  	_ =	sfence.sel $0xFFFF  }
0xc7: {  	[dreg:$0x0] =	wrdreg $0xFFFFFFFF;
	(pc) =	sbr.abs _section_cstart, $3  }
0xc8: {  	[dreg:$0x1] =	wrdreg $0xFFFFFFFF  }
0xc9: {  	_ =	task.clear_ibuf [dreg:s9], $0x2FFFF;
	_ =	strace $0x9FFFFFFF  }
0xca: {  	(tm) =	ssettm $0x7FFFFFFF  }
0xcb: {  	_ =	shalt  }
tec
execute0_lowered:
.L_overlay_start_1:
0x0: {  	(tag) =	ssettag $0x1  }
0x1: {  	s1 =	rddreg [dreg:$0x0]  }
0x2: {  	s2 =	rddreg [dreg:$0x1]  }
0x3: {  	s6 =	rddreg [dreg:$0x2]  }
0x4: {  	s7 =	rddreg [dreg:$0x3]  }
0x5: {  	s0 =	rddreg [dreg:$0x4]  }
0x6: {  	s4 =	simm.s32 $0x0;
	s5 =	srdreg.scid;
	s3 =	stileid.u32  }
0x7: {  	s16 =	simm.s32 $0x400;
	s17 =	simm.s32 $0x480;
	s18 =	simm.s32 $0x500  }
0x8: {  	s19 =	simm.s32 $0x3;
	s20 =	simm.s32 $0x2500;
	s21 =	simm.s32 $0x2D00  }
0x9: {  	s22 =	simm.s32 $0x3500;
	s23 =	simm.s32 $0x3D00;
	s24 =	simm.s32 $0x1  }
0xa: {  	s25 =	simm.s32 $0x4;
	s26 =	simm.s32 $0xD00;
	s28 =	simm.s32 $0x1500  }
0xb: {  	s29 =	simm.s32 $0x1D00;
	s30 =	simm.s32 $0x2;
	[smem:$0x7FF] =	sst s4  }
0xc: {  	s5 =	sand.u32 $0x1, s5;
	s8 =	sshll.u32 s3, $0x1;
	s13 =	sadd.s32 $0x200, s1  }
0xd: {  	s14 =	sadd.s32 $0x300, s1;
	_ =	strace $0x80000047;
	s8 =	sor.u32 s5, s8  }
0xe: {  	s9 =	ssub.s32 $0x2, s5;
	s5 =	sadd.s32 $0x1A00, s6;
	s10 =	sshll.u32 s8, $0x7  }
0xf: {  	s11 =	sshrl.u32 s9, $0x1;
	s12 =	sadd.s32 s8, s6;
	s7 =	sadd.s32 s7, s8  }
0x10: {  	v0 =	vlaneseq.u32;
	s10 =	sadd.s32 s10, s6;
	s15 =	ssub.s32 s9, s11;
	s8 =	sadd.s32 $0x1800, s12  }
0x11: {  	v1 =	vshrl.u32 v0, $0x3;
	s9 =	sadd.s32 $0x100, s2;
	s11 =	sadd.s32 $0x300, s2;
	s12 =	sadd.s32 $0x100, s1  }
0x12: {  	vm0 =	vmmov $0xffff;
	v0 =	vand.u32 $0x7, v0;
	v1 =	vmul.u32 $0x8, v1;
	s6 =	sadd.s32 $0x800, s10;
	s10 =	sadd.s32 $0x200, s2;
	s15 =	smax.u32 s15, $0x1  }
.LBB2_1:
0x13: {  	[tilespmem:s4], [sflag:$0x1] =	stream.linear.gather [hbm4b:s6+s4], $0x400, $0x38;
	[tilespmem:$0x4500] =	vst v63  }
0x14: {  	_ = 	snop  }
0x15: {  	[tilespmem:s16], [sflag:$0x2] =	stream.linear.gather [hbm4b:s7+s4], $0x8, $0x38;
	[tilespmem:$0x4500] =	vst v63  }
0x16: {  	_ = 	snop  }
0x17: {  	[tilespmem:s17], [sflag:$0x3] =	stream.linear.gather [hbm4b:s8+s4], $0x8, $0x38;
	[tilespmem:$0x4500] =	vst v63  }
0x18: {  	_ = 	snop  }
0x19: {  	[tilespmem:s18], [sflag:$0x4] =	stream.linear.gather [hbm4b:s5+s4], $0x2000, $0x38;
	[tilespmem:$0x4500] =	vst v63  }
0x1a: {  	_ =	swait.ge [sflag:s19], $0x8  }
0x1b: {  	[sflag:s19] =	ssyncset.done $0x0  }
0x1c: {  	[sflag:s19] =	ssyncadd.s32 $0xFFFFFFF8  }
0x1d: {  	v2 =	vld.msk [tilespmem:$0x480], $0xff;
	_ =	sdelay $0x4  }
0x1e: {  	v3 =	vshll.u32 v2, $0x3  }
0x1f: {  	v2 =	vand.u32 $0x7, v2;
	v3 =	vand.u32 $0xFFFFFFC0, v3  }
0x20: {  	v2 =	vor.u32 v2, v3  }
0x21: {  	v2 =	vperm.xlane v2, v0;
	_ =	sdelay $0x1  }
0x22: {  	v2 =	vadd.s32 v1, v2;
	_ =	sdelay $0x4  }
0x23: {  	[tilespmem:s20], [sflag:$0x3] =	stream.indirect_vreg.gather [hbm4b:s2+s4], $0x80, v2, vm0, $0xb8;
	[tilespmem:$0x4500] =	vst v63  }
0x24: {  	_ = 	snop  }
0x25: {  	[tilespmem:s21], [sflag:$0x3] =	stream.indirect_vreg.gather [hbm4b:s9+s4], $0x80, v2, vm0, $0xb8;
	[tilespmem:$0x4500] =	vst v63  }
0x26: {  	_ = 	snop  }
0x27: {  	[tilespmem:s22], [sflag:$0x3] =	stream.indirect_vreg.gather [hbm4b:s10+s4], $0x80, v2, vm0, $0xb8;
	[tilespmem:$0x4500] =	vst v63  }
0x28: {  	_ = 	snop  }
0x29: {  	[tilespmem:s23], [sflag:$0x3] =	stream.indirect_vreg.gather [hbm4b:s11+s4], $0x80, v2, vm0, $0xb8;
	[tilespmem:$0x4500] =	vst v63  }
0x2a: {  	_ =	swait.ge [sflag:s24], $0x400  }
0x2b: {  	[sflag:s24] =	ssyncset.done $0x0  }
0x2c: {  	[sflag:s24] =	ssyncadd.s32 $0xFFFFFC00  }
0x2d: {  	_ =	swait.ge [sflag:s25], $0x2000  }
0x2e: {  	[sflag:s25] =	ssyncset.done $0x0  }
0x2f: {  	[sflag:s25] =	ssyncadd.s32 $0xFFFFE000  }
0x30: {  	v2 =	vld.msk [tilespmem:$0x0], $0xff;
	_ =	sdelay $0x4  }
0x31: {  	v3 =	vshll.u32 v2, $0x3  }
0x32: {  	v2 =	vand.u32 $0x7, v2;
	v3 =	vand.u32 $0xFFFFFFC0, v3  }
0x33: {  	v2 =	vor.u32 v2, v3  }
0x34: {  	v2 =	vperm.xlane v2, v0;
	_ =	sdelay $0x1  }
0x35: {  	v2 =	vadd.s32 v1, v2;
	_ =	sdelay $0x4  }
0x36: {  	[hbm4b:s1+s4] =	stream.indirect_vreg.scatter [tilespmem:s18], [sflag:$0x1], $0x80, v2, vm0, $0xb8;
	[tilespmem:$0x4500] =	vst v63  }
0x37: {  	_ = 	snop  }
0x38: {  	[hbm4b:s12+s4] =	stream.indirect_vreg.scatter [tilespmem:s26], [sflag:$0x1], $0x80, v2, vm0, $0xb8;
	[tilespmem:$0x4500] =	vst v63  }
0x39: {  	_ = 	snop  }
0x3a: {  	[hbm4b:s13+s4] =	stream.indirect_vreg.scatter [tilespmem:s28], [sflag:$0x1], $0x80, v2, vm0, $0xb8;
	[tilespmem:$0x4500] =	vst v63  }
0x3b: {  	_ = 	snop  }
0x3c: {  	[hbm4b:s14+s4] =	stream.indirect_vreg.scatter [tilespmem:s29], [sflag:$0x1], $0x80, v2, vm0, $0xb8;
	[tilespmem:$0x4500] =	vst v63  }
0x3d: {  	v2 =	vld.msk [tilespmem:$0x80], $0xff;
	_ =	sdelay $0x4  }
0x3e: {  	v3 =	vshll.u32 v2, $0x3  }
0x3f: {  	v2 =	vand.u32 $0x7, v2;
	v3 =	vand.u32 $0xFFFFFFC0, v3  }
0x40: {  	v2 =	vor.u32 v2, v3  }
0x41: {  	v2 =	vperm.xlane v2, v0;
	_ =	sdelay $0x1  }
0x42: {  	v2 =	vadd.s32 v1, v2;
	_ =	sdelay $0x4  }
0x43: {  	[hbm4b:s1+s4] =	stream.indirect_vreg.scatter [tilespmem:s18], [sflag:$0x4], $0x80, v2, vm0, $0xb8;
	[tilespmem:$0x4500] =	vst v63  }
0x44: {  	_ = 	snop  }
0x45: {  	[hbm4b:s12+s4] =	stream.indirect_vreg.scatter [tilespmem:s26], [sflag:$0x4], $0x80, v2, vm0, $0xb8;
	[tilespmem:$0x4500] =	vst v63  }
0x46: {  	_ = 	snop  }
0x47: {  	[hbm4b:s13+s4] =	stream.indirect_vreg.scatter [tilespmem:s28], [sflag:$0x4], $0x80, v2, vm0, $0xb8;
	[tilespmem:$0x4500] =	vst v63  }
0x48: {  	_ = 	snop  }
0x49: {  	[hbm4b:s14+s4] =	stream.indirect_vreg.scatter [tilespmem:s29], [sflag:$0x4], $0x80, v2, vm0, $0xb8;
	[tilespmem:$0x4500] =	vst v63  }
0x4a: {  	v2 =	vld.msk [tilespmem:$0x100], $0xff;
	_ =	sdelay $0x4  }
0x4b: {  	v3 =	vshll.u32 v2, $0x3  }
0x4c: {  	v2 =	vand.u32 $0x7, v2;
	v3 =	vand.u32 $0xFFFFFFC0, v3  }
0x4d: {  	v2 =	vor.u32 v2, v3  }
0x4e: {  	v2 =	vperm.xlane v2, v0;
	_ =	sdelay $0x1  }
0x4f: {  	v2 =	vadd.s32 v1, v2;
	_ =	sdelay $0x4  }
0x50: {  	[hbm4b:s1+s4] =	stream.indirect_vreg.scatter [tilespmem:s18], [sflag:$0x1], $0x80, v2, vm0, $0xb8;
	[tilespmem:$0x4500] =	vst v63  }
0x51: {  	_ = 	snop  }
0x52: {  	[hbm4b:s12+s4] =	stream.indirect_vreg.scatter [tilespmem:s26], [sflag:$0x1], $0x80, v2, vm0, $0xb8;
	[tilespmem:$0x4500] =	vst v63  }
0x53: {  	_ = 	snop  }
0x54: {  	[hbm4b:s13+s4] =	stream.indirect_vreg.scatter [tilespmem:s28], [sflag:$0x1], $0x80, v2, vm0, $0xb8;
	[tilespmem:$0x4500] =	vst v63  }
0x55: {  	_ = 	snop  }
0x56: {  	[hbm4b:s14+s4] =	stream.indirect_vreg.scatter [tilespmem:s29], [sflag:$0x1], $0x80, v2, vm0, $0xb8;
	[tilespmem:$0x4500] =	vst v63  }
0x57: {  	v2 =	vld.msk [tilespmem:$0x180], $0xff;
	_ =	sdelay $0x4  }
0x58: {  	v3 =	vshll.u32 v2, $0x3  }
0x59: {  	v2 =	vand.u32 $0x7, v2;
	v3 =	vand.u32 $0xFFFFFFC0, v3  }
0x5a: {  	v2 =	vor.u32 v2, v3  }
0x5b: {  	v2 =	vperm.xlane v2, v0;
	_ =	sdelay $0x1  }
0x5c: {  	v2 =	vadd.s32 v1, v2;
	_ =	sdelay $0x4  }
0x5d: {  	[hbm4b:s1+s4] =	stream.indirect_vreg.scatter [tilespmem:s18], [sflag:$0x4], $0x80, v2, vm0, $0xb8;
	[tilespmem:$0x4500] =	vst v63  }
0x5e: {  	_ = 	snop  }
0x5f: {  	[hbm4b:s12+s4] =	stream.indirect_vreg.scatter [tilespmem:s26], [sflag:$0x4], $0x80, v2, vm0, $0xb8;
	[tilespmem:$0x4500] =	vst v63  }
0x60: {  	_ = 	snop  }
0x61: {  	[hbm4b:s13+s4] =	stream.indirect_vreg.scatter [tilespmem:s28], [sflag:$0x4], $0x80, v2, vm0, $0xb8;
	[tilespmem:$0x4500] =	vst v63  }
0x62: {  	_ = 	snop  }
0x63: {  	[hbm4b:s14+s4] =	stream.indirect_vreg.scatter [tilespmem:s29], [sflag:$0x4], $0x80, v2, vm0, $0xb8;
	[tilespmem:$0x4500] =	vst v63  }
0x64: {  	v2 =	vld.msk [tilespmem:$0x200], $0xff;
	_ =	sdelay $0x4  }
0x65: {  	v3 =	vshll.u32 v2, $0x3  }
0x66: {  	v2 =	vand.u32 $0x7, v2;
	v3 =	vand.u32 $0xFFFFFFC0, v3  }
0x67: {  	v2 =	vor.u32 v2, v3  }
0x68: {  	v2 =	vperm.xlane v2, v0;
	_ =	sdelay $0x1  }
0x69: {  	v2 =	vadd.s32 v1, v2;
	_ =	sdelay $0x4  }
0x6a: {  	[hbm4b:s1+s4] =	stream.indirect_vreg.scatter [tilespmem:s18], [sflag:$0x1], $0x80, v2, vm0, $0xb8;
	[tilespmem:$0x4500] =	vst v63  }
0x6b: {  	_ = 	snop  }
0x6c: {  	[hbm4b:s12+s4] =	stream.indirect_vreg.scatter [tilespmem:s26], [sflag:$0x1], $0x80, v2, vm0, $0xb8;
	[tilespmem:$0x4500] =	vst v63  }
0x6d: {  	_ = 	snop  }
0x6e: {  	[hbm4b:s13+s4] =	stream.indirect_vreg.scatter [tilespmem:s28], [sflag:$0x1], $0x80, v2, vm0, $0xb8;
	[tilespmem:$0x4500] =	vst v63  }
0x6f: {  	_ = 	snop  }
0x70: {  	[hbm4b:s14+s4] =	stream.indirect_vreg.scatter [tilespmem:s29], [sflag:$0x1], $0x80, v2, vm0, $0xb8;
	[tilespmem:$0x4500] =	vst v63  }
0x71: {  	v2 =	vld.msk [tilespmem:$0x280], $0xff;
	_ =	sdelay $0x4  }
0x72: {  	v3 =	vshll.u32 v2, $0x3  }
0x73: {  	v2 =	vand.u32 $0x7, v2;
	v3 =	vand.u32 $0xFFFFFFC0, v3  }
0x74: {  	v2 =	vor.u32 v2, v3  }
0x75: {  	v2 =	vperm.xlane v2, v0;
	_ =	sdelay $0x1  }
0x76: {  	v2 =	vadd.s32 v1, v2;
	_ =	sdelay $0x4  }
0x77: {  	[hbm4b:s1+s4] =	stream.indirect_vreg.scatter [tilespmem:s18], [sflag:$0x4], $0x80, v2, vm0, $0xb8;
	[tilespmem:$0x4500] =	vst v63  }
0x78: {  	_ = 	snop  }
0x79: {  	[hbm4b:s12+s4] =	stream.indirect_vreg.scatter [tilespmem:s26], [sflag:$0x4], $0x80, v2, vm0, $0xb8;
	[tilespmem:$0x4500] =	vst v63  }
0x7a: {  	_ = 	snop  }
0x7b: {  	[hbm4b:s13+s4] =	stream.indirect_vreg.scatter [tilespmem:s28], [sflag:$0x4], $0x80, v2, vm0, $0xb8;
	[tilespmem:$0x4500] =	vst v63  }
0x7c: {  	_ = 	snop  }
0x7d: {  	[hbm4b:s14+s4] =	stream.indirect_vreg.scatter [tilespmem:s29], [sflag:$0x4], $0x80, v2, vm0, $0xb8;
	[tilespmem:$0x4500] =	vst v63  }
0x7e: {  	v2 =	vld.msk [tilespmem:$0x300], $0xff;
	_ =	sdelay $0x4  }
0x7f: {  	v3 =	vshll.u32 v2, $0x3  }
0x80: {  	v2 =	vand.u32 $0x7, v2;
	v3 =	vand.u32 $0xFFFFFFC0, v3  }
0x81: {  	v2 =	vor.u32 v2, v3  }
0x82: {  	v2 =	vperm.xlane v2, v0;
	_ =	sdelay $0x1  }
0x83: {  	v2 =	vadd.s32 v1, v2;
	_ =	sdelay $0x4  }
0x84: {  	[hbm4b:s1+s4] =	stream.indirect_vreg.scatter [tilespmem:s18], [sflag:$0x1], $0x80, v2, vm0, $0xb8;
	[tilespmem:$0x4500] =	vst v63  }
0x85: {  	_ = 	snop  }
0x86: {  	[hbm4b:s12+s4] =	stream.indirect_vreg.scatter [tilespmem:s26], [sflag:$0x1], $0x80, v2, vm0, $0xb8;
	[tilespmem:$0x4500] =	vst v63  }
0x87: {  	_ = 	snop  }
0x88: {  	[hbm4b:s13+s4] =	stream.indirect_vreg.scatter [tilespmem:s28], [sflag:$0x1], $0x80, v2, vm0, $0xb8;
	[tilespmem:$0x4500] =	vst v63  }
0x89: {  	_ = 	snop  }
0x8a: {  	[hbm4b:s14+s4] =	stream.indirect_vreg.scatter [tilespmem:s29], [sflag:$0x1], $0x80, v2, vm0, $0xb8;
	[tilespmem:$0x4500] =	vst v63  }
0x8b: {  	v2 =	vld.msk [tilespmem:$0x380], $0xff;
	_ =	sdelay $0x4  }
0x8c: {  	v3 =	vshll.u32 v2, $0x3  }
0x8d: {  	v2 =	vand.u32 $0x7, v2;
	v3 =	vand.u32 $0xFFFFFFC0, v3  }
0x8e: {  	v2 =	vor.u32 v2, v3  }
0x8f: {  	v2 =	vperm.xlane v2, v0;
	_ =	sdelay $0x1  }
0x90: {  	v2 =	vadd.s32 v1, v2;
	_ =	sdelay $0x4  }
0x91: {  	[hbm4b:s1+s4] =	stream.indirect_vreg.scatter [tilespmem:s18], [sflag:$0x4], $0x80, v2, vm0, $0xb8;
	[tilespmem:$0x4500] =	vst v63  }
0x92: {  	_ = 	snop  }
0x93: {  	[hbm4b:s12+s4] =	stream.indirect_vreg.scatter [tilespmem:s26], [sflag:$0x4], $0x80, v2, vm0, $0xb8;
	[tilespmem:$0x4500] =	vst v63  }
0x94: {  	_ = 	snop  }
0x95: {  	[hbm4b:s13+s4] =	stream.indirect_vreg.scatter [tilespmem:s28], [sflag:$0x4], $0x80, v2, vm0, $0xb8;
	[tilespmem:$0x4500] =	vst v63  }
0x96: {  	_ = 	snop  }
0x97: {  	[hbm4b:s14+s4] =	stream.indirect_vreg.scatter [tilespmem:s29], [sflag:$0x4], $0x80, v2, vm0, $0xb8;
	[tilespmem:$0x4500] =	vst v63  }
0x98: {  	_ =	swait.ge [sflag:s30], $0x8  }
0x99: {  	[sflag:s30] =	ssyncset.done $0x0  }
0x9a: {  	[sflag:s30] =	ssyncadd.s32 $0xFFFFFFF8  }
0x9b: {  	_ =	swait.ge [sflag:s19], $0x2000  }
0x9c: {  	[sflag:s19] =	ssyncset.done $0x0  }
0x9d: {  	[sflag:s19] =	ssyncadd.s32 $0xFFFFE000  }
0x9e: {  	v2 =	vld.msk [tilespmem:$0x400], $0xff;
	_ =	sdelay $0x4  }
0x9f: {  	v3 =	vshll.u32 v2, $0x3  }
0xa0: {  	v2 =	vand.u32 $0x7, v2;
	v3 =	vand.u32 $0xFFFFFFC0, v3  }
0xa1: {  	v2 =	vor.u32 v2, v3  }
0xa2: {  	v2 =	vperm.xlane v2, v0;
	_ =	sdelay $0x1  }
0xa3: {  	v2 =	vadd.s32 v1, v2;
	_ =	sdelay $0x4  }
0xa4: {  	[hbm4b:s1+s4] =	stream.indirect_vreg.scatter [tilespmem:s20], [sflag:$0x2], $0x80, v2, vm0, $0xb8;
	[tilespmem:$0x4500] =	vst v63  }
0xa5: {  	_ = 	snop  }
0xa6: {  	[hbm4b:s12+s4] =	stream.indirect_vreg.scatter [tilespmem:s21], [sflag:$0x2], $0x80, v2, vm0, $0xb8;
	[tilespmem:$0x4500] =	vst v63  }
0xa7: {  	_ = 	snop  }
0xa8: {  	[hbm4b:s13+s4] =	stream.indirect_vreg.scatter [tilespmem:s22], [sflag:$0x2], $0x80, v2, vm0, $0xb8;
	[tilespmem:$0x4500] =	vst v63  }
0xa9: {  	_ = 	snop  }
0xaa: {  	[hbm4b:s14+s4] =	stream.indirect_vreg.scatter [tilespmem:s23], [sflag:$0x2], $0x80, v2, vm0, $0xb8;
	[tilespmem:$0x4500] =	vst v63  }
0xab: {  	_ =	swait.ge [sflag:s24], $0x2000  }
0xac: {  	[sflag:s24] =	ssyncset.done $0x0  }
0xad: {  	[sflag:s24] =	ssyncadd.s32 $0xFFFFE000  }
0xae: {  	_ =	swait.ge [sflag:s25], $0x2000  }
0xaf: {  	[sflag:s25] =	ssyncset.done $0x0  }
0xb0: {  	[sflag:s25] =	ssyncadd.s32 $0xFFFFE000  }
0xb1: {  	_ =	swait.ge [sflag:s24], $0x2000  }
0xb2: {  	[sflag:s24] =	ssyncset.done $0x0  }
0xb3: {  	[sflag:s24] =	ssyncadd.s32 $0xFFFFE000  }
0xb4: {  	_ =	swait.ge [sflag:s25], $0x2000  }
0xb5: {  	[sflag:s25] =	ssyncset.done $0x0  }
0xb6: {  	[sflag:s25] =	ssyncadd.s32 $0xFFFFE000  }
0xb7: {  	_ =	swait.ge [sflag:s24], $0x2000  }
0xb8: {  	[sflag:s24] =	ssyncset.done $0x0  }
0xb9: {  	[sflag:s24] =	ssyncadd.s32 $0xFFFFE000  }
0xba: {  	_ =	swait.ge [sflag:s25], $0x2000  }
0xbb: {  	[sflag:s25] =	ssyncset.done $0x0  }
0xbc: {  	[sflag:s25] =	ssyncadd.s32 $0xFFFFE000  }
0xbd: {  	_ =	swait.ge [sflag:s24], $0x2000  }
0xbe: {  	[sflag:s24] =	ssyncset.done $0x0  }
0xbf: {  	[sflag:s24] =	ssyncadd.s32 $0xFFFFE000  }
0xc0: {  	p0 =	sne.s32 s15, $0x1;
	_ =	swait.ge [sflag:s25], $0x2000  }
.Ltmp0:
0xc1: {  	[sflag:s25] =	ssyncset.done $0x0;
	(pc) =	sbr.rel @p0 .LBB2_1-.Ltmp0, $4  }
0xc2: {  	[sflag:s25] =	ssyncadd.s32 $0xFFFFE000  }
0xc3: {  	_ =	swait.ge [sflag:s30], $0x2000  }
0xc4: {  	[sflag:s30] =	ssyncset.done $0x0  }
0xc5: {  	s15 =	sadd.s32 $0xFFFFFFFF, s15;
	[sflag:s30] =	ssyncadd.s32 $0xFFFFE000  }
0xc6: {  	_ =	sfence.sel $0x180000  }
0xc7: {  	[bflag:$0x0] =	sbarrier.arrive $0xFFFF  }
0xc8: {  	p0 =	sne.s32 s3, $0x0;
	_ =	strace $0x90000047  }
0xc9: {  	s0 =	sadd.s32 @!p0 $0x100000, s0;
	[bflag:$0x2] =	sbarrier.arrive $0xFFFF  }
0xca: {  	[sflag:s0] =	ssyncadd.tile.s32 @!p0 $0x1;
	_ =	shalt  }
.Lfunc_end2:
_tile_overlayer_lowered:
.L_overlay_start_2:
0xcb: {  	(tag) =	ssettag $0x2  }
0xcc: {  	s0 =	rddreg [dreg:$0x0];
	s2 =	stileid.u32  }
0xcd: {  	s1 =	rddreg [dreg:$0x1];
	p0 =	sne.s32 s2, $0x0  }
0xce: {  	s3 =	rddreg [dreg:$0x2];
	[bflag:$0x3] =	sbarrier.arrive $0xFFFF;
	s2 =	simm.s32 @!p0 $0x1C05  }
0xcf: {  	[timem:s3], [sflag:s2] =	dma.local @!p0 [hbm:s0], s1  }
0xd0: {  	s0 =	simm.s32 @!p0 $0x5  }
0xd1: {  	_ =	swait.ge @!p0 [sflag:s0], s1  }
0xd2: {  	s1 =	ssub.s32 @!p0 $0x0, s1;
	[sflag:s0] =	ssyncset.done @!p0 $0x0  }
0xd3: {  	[sflag:s0] =	ssyncadd.s32 @!p0 s1  }
0xd4: {  	[bflag:$0x3] =	sbarrier.arrive $0xFFFF  }
0xd5: {  	_ =	shalt  }

</sc_bundles>
